<compile_context>
chip_gen: v7x
topology: tpu7x:2x2x1
jax: 0.10.2.dev20260603
libtpu: 0.0.44.dev20260713+nightly
codegen_flags: <defaults>
</compile_context>

<pallas_src>
import jax
import jax.numpy as jnp
from jax import lax
from jax.experimental import pallas as pl
from jax.experimental.pallas import tpu as pltpu
from jax.experimental.pallas import tpu_sc as plsc

VOCAB = 100000
D = 128
B = 1024
S = 200
N = B * S

NC, NS = 2, 16
NW = NC * NS
PER_W = N // NW
NG = PER_W // D
NB = 6
LA = 4


def _gather_body(table_hbm, idx_hbm, out_hbm, idx_v, bufs, sem_in, sem_out):
    wid = lax.axis_index("s") * NC + lax.axis_index("c")
    pltpu.sync_copy(idx_hbm.at[wid], idx_v)
    base = wid * PER_W

    def issue_gather(i):
        pltpu.async_copy(table_hbm.at[idx_v.at[i]], bufs.at[i % NB], sem_in)

    def wait_in():
        pltpu.make_async_copy(
            table_hbm.at[pl.ds(0, D)], bufs.at[0], sem_in
        ).wait()

    def start_out(i):
        pltpu.async_copy(
            bufs.at[i % NB], out_hbm.at[pl.ds(base + i * D, D)], sem_out
        )

    def wait_out(i):
        pltpu.make_async_copy(
            bufs.at[i % NB], out_hbm.at[pl.ds(base + i * D, D)], sem_out
        ).wait()

    for i in range(LA):
        issue_gather(i)

    def head(i, carry):
        wait_in()
        start_out(i)
        issue_gather(i + LA)
        return carry

    lax.fori_loop(0, NB - LA, head, None)

    def steady(i, carry):
        wait_in()
        start_out(i)
        wait_out(i + LA - NB)
        issue_gather(i + LA)
        return carry

    lax.fori_loop(NB - LA, NG - LA, steady, None)

    def tail(i, carry):
        wait_in()
        start_out(i)
        wait_out(i + LA - NB)
        return carry

    lax.fori_loop(NG - LA, NG, tail, None)
    for i in range(NG + LA - NB, NG):
        wait_out(i)


@jax.jit
def _gather(ids3d, table):
    run = pl.kernel(
        _gather_body,
        out_type=jax.ShapeDtypeStruct((N, D), jnp.float32),
        mesh=plsc.VectorSubcoreMesh(core_axis_name="c", subcore_axis_name="s"),
        scratch_types=[
            pltpu.VMEM((NG, D), jnp.int32),
            pltpu.VMEM((NB, D, D), jnp.float32),
            pltpu.SemaphoreType.DMA,
            pltpu.SemaphoreType.DMA,
        ],
    )
    return run(table, ids3d)


def kernel(input_ids, embedding):
    ids3d = input_ids.reshape(NW, NG, D).astype(jnp.int32)
    out = _gather(ids3d, embedding)
    return out.reshape(B, S, D)

# --- scband reference (transcript-rebuilt; emitter-appended) ---
"""Pipeline reference for scband-char-language-model-base-18425409700279 (READ-ONLY COPY).

The authoritative reference and input builder live on the scoring server;
editing this copy changes nothing except your own understanding.
"""

import jax, jax.numpy as jnp
import numpy as np

VOCAB_SIZE = 100000
EMBED_DIM = 128
BATCH = 1024
SEQ = 200

def setup_inputs(seed: int = 0) -> dict:
    key = jax.random.key(seed)
    k_idx, k_emb = jax.random.split(key)
    input_ids = jax.random.randint(k_idx, (BATCH, SEQ), 0, VOCAB_SIZE, dtype=jnp.int64 if jax.config.jax_enable_x64 else jnp.int32)
    embedding = jax.random.normal(k_emb, (VOCAB_SIZE, EMBED_DIM), dtype=jnp.float32) * 0.02
    return {"input_ids": input_ids, "embedding": embedding}

def reference(input_ids, embedding):
    # Faithful to nn.Embedding forward: row gather from the table.
    return jnp.take(embedding, input_ids, axis=0)

if __name__ == "__main__":
    import jax
    _d = setup_inputs()
    print(jax.jit(kernel)(*tuple(_d.values())))

</pallas_src>

<mosaic_0001>
#map = affine_map<(d0, d1) -> (0, 0)>
#map1 = affine_map<(d0, d1) -> (0, 0, 0)>
module attributes {stable_mosaic.version = 14 : i64} {
  func.func @_gather_body(%arg0: i32, %arg1: i32, %arg2: memref<100000x128xf32, #tpu.memory_space<hbm>>, %arg3: memref<32x50x128xi32, #tpu.memory_space<hbm>>, %arg4: memref<204800x128xf32, #tpu.memory_space<hbm>>, %arg5: memref<50x128xi32, #tpu.memory_space<vmem>>, %arg6: memref<6x128x128xf32, #tpu.memory_space<vmem>>, %arg7: memref<!tpu.dma_semaphore, #tpu.memory_space<semaphore_mem>>, %arg8: memref<!tpu.dma_semaphore, #tpu.memory_space<semaphore_mem>>) attributes {dimension_semantics = [#tpu.dimension_semantics<core_parallel>, #tpu.dimension_semantics<subcore_parallel>], iteration_bounds = array<i64: 2, 16>, scalar_prefetch = 0 : i64, scratch_operands = 4 : i64, tpu.core_type = #tpu.core_type<sc_vector_subcore>, window_params = [{transform_indices = #map}, {transform_indices = #map1}, {transform_indices = #map}]} {
    %mul3A = arith.constant 2 : i32
    %mul3A_0 = arith.muli %arg1, %mul3A : i32
    %add3A = arith.addi %mul3A_0, %arg0 : i32
    "tpu.region"() ({
      %run_scoped3A = tpu.sem_alloc : memref<!tpu.dma_semaphore, #tpu.memory_space<semaphore_mem>>
      %dma_start3A_93 = arith.constant 0 : i32
      %dma_start3A_94 = arith.constant 0 : i32
      %dma_start3A_95 = tpu.memref_slice %arg3[%add3A, %dma_start3A_93, %dma_start3A_94] : memref<32x50x128xi32, #tpu.memory_space<hbm>> -> memref<1x50x128xi32, #tpu.memory_space<hbm>>
      %dma_start3A_96 = tpu.memref_squeeze %dma_start3A_95 : memref<1x50x128xi32, #tpu.memory_space<hbm>> -> memref<50x128xi32, #tpu.memory_space<hbm>>
      %dma_start3A_97 = arith.constant 0 : i32
      %dma_start3A_98 = arith.constant 0 : i32
      %dma_start3A_99 = tpu.memref_slice %arg3[%add3A, %dma_start3A_97, %dma_start3A_98] : memref<32x50x128xi32, #tpu.memory_space<hbm>> -> memref<1x50x128xi32, #tpu.memory_space<hbm>>
      %dma_start3A_100 = tpu.memref_squeeze %dma_start3A_99 : memref<1x50x128xi32, #tpu.memory_space<hbm>> -> memref<50x128xi32, #tpu.memory_space<hbm>>
      tpu.enqueue_dma source(%dma_start3A_100 : memref<50x128xi32, #tpu.memory_space<hbm>>) target(%arg5 : memref<50x128xi32, #tpu.memory_space<vmem>>) target_semaphore(%run_scoped3A : memref<!tpu.dma_semaphore, #tpu.memory_space<semaphore_mem>>)
      %dma_wait3A_101 = arith.constant 0 : i32
      %dma_wait3A_102 = arith.constant 0 : i32
      %dma_wait3A_103 = tpu.memref_slice %arg3[%add3A, %dma_wait3A_101, %dma_wait3A_102] : memref<32x50x128xi32, #tpu.memory_space<hbm>> -> memref<1x50x128xi32, #tpu.memory_space<hbm>>
      %dma_wait3A_104 = tpu.memref_squeeze %dma_wait3A_103 : memref<1x50x128xi32, #tpu.memory_space<hbm>> -> memref<50x128xi32, #tpu.memory_space<hbm>>
      %dma_wait3A_105 = arith.constant 0 : i32
      %dma_wait3A_106 = arith.constant 0 : i32
      %dma_wait3A_107 = tpu.memref_slice %arg3[%add3A, %dma_wait3A_105, %dma_wait3A_106] : memref<32x50x128xi32, #tpu.memory_space<hbm>> -> memref<1x50x128xi32, #tpu.memory_space<hbm>>
      %dma_wait3A_108 = tpu.memref_squeeze %dma_wait3A_107 : memref<1x50x128xi32, #tpu.memory_space<hbm>> -> memref<50x128xi32, #tpu.memory_space<hbm>>
      tpu.wait_dma2 semaphore(%run_scoped3A : memref<!tpu.dma_semaphore, #tpu.memory_space<semaphore_mem>>) src(%dma_wait3A_108 : memref<50x128xi32, #tpu.memory_space<hbm>>) dst(%arg5 : memref<50x128xi32, #tpu.memory_space<vmem>>)
      tpu.yield
    }) : () -> ()
    %mul3A_1 = arith.constant 6400 : i32
    %mul3A_2 = arith.muli %add3A, %mul3A_1 : i32
    %dma_start3A = arith.constant 0 : i32
    %dma_start3A_3 = arith.constant 0 : i32
    %dma_start3A_4 = arith.constant 0 : i32
    %dma_start3A_5 = arith.constant 0 : i32
    %dma_start3A_6 = tpu.memref_slice %arg6[%dma_start3A_3, %dma_start3A_4, %dma_start3A_5] : memref<6x128x128xf32, #tpu.memory_space<vmem>> -> memref<1x128x128xf32, #tpu.memory_space<vmem>>
    %dma_start3A_7 = tpu.memref_squeeze %dma_start3A_6 : memref<1x128x128xf32, #tpu.memory_space<vmem>> -> memref<128x128xf32, #tpu.memory_space<vmem>>
    %dma_start3A_8 = arith.constant 0 : i32
    %dma_start3A_9 = tpu.memref_slice %arg5[%dma_start3A, %dma_start3A_8] : memref<50x128xi32, #tpu.memory_space<vmem>> -> memref<1x128xi32, #tpu.memory_space<vmem>>
    %dma_start3A_10 = tpu.memref_squeeze %dma_start3A_9 : memref<1x128xi32, #tpu.memory_space<vmem>> -> memref<128xi32, #tpu.memory_space<vmem>>
    %dma_start3A_11 = arith.constant 0 : i32
    %dma_start3A_12 = arith.constant 0 : i32
    %dma_start3A_13 = tpu.memref_slice %arg2[%dma_start3A_11, %dma_start3A_12] : memref<100000x128xf32, #tpu.memory_space<hbm>> -> memref<100000x128xf32, #tpu.memory_space<hbm>>
    tpu.enqueue_indirect_dma source(%dma_start3A_13 : memref<100000x128xf32, #tpu.memory_space<hbm>>) target(%dma_start3A_7 : memref<128x128xf32, #tpu.memory_space<vmem>>) offsets(%dma_start3A_10 : memref<128xi32, #tpu.memory_space<vmem>>) semaphore(%arg7 : memref<!tpu.dma_semaphore, #tpu.memory_space<semaphore_mem>>)
    %dma_start3A_14 = arith.constant 1 : i32
    %dma_start3A_15 = arith.constant 1 : i32
    %dma_start3A_16 = arith.constant 0 : i32
    %dma_start3A_17 = arith.constant 0 : i32
    %dma_start3A_18 = tpu.memref_slice %arg6[%dma_start3A_15, %dma_start3A_16, %dma_start3A_17] : memref<6x128x128xf32, #tpu.memory_space<vmem>> -> memref<1x128x128xf32, #tpu.memory_space<vmem>>
    %dma_start3A_19 = tpu.memref_squeeze %dma_start3A_18 : memref<1x128x128xf32, #tpu.memory_space<vmem>> -> memref<128x128xf32, #tpu.memory_space<vmem>>
    %dma_start3A_20 = arith.constant 0 : i32
    %dma_start3A_21 = tpu.memref_slice %arg5[%dma_start3A_14, %dma_start3A_20] : memref<50x128xi32, #tpu.memory_space<vmem>> -> memref<1x128xi32, #tpu.memory_space<vmem>>
    %dma_start3A_22 = tpu.memref_squeeze %dma_start3A_21 : memref<1x128xi32, #tpu.memory_space<vmem>> -> memref<128xi32, #tpu.memory_space<vmem>>
    %dma_start3A_23 = arith.constant 0 : i32
    %dma_start3A_24 = arith.constant 0 : i32
    %dma_start3A_25 = tpu.memref_slice %arg2[%dma_start3A_23, %dma_start3A_24] : memref<100000x128xf32, #tpu.memory_space<hbm>> -> memref<100000x128xf32, #tpu.memory_space<hbm>>
    tpu.enqueue_indirect_dma source(%dma_start3A_25 : memref<100000x128xf32, #tpu.memory_space<hbm>>) target(%dma_start3A_19 : memref<128x128xf32, #tpu.memory_space<vmem>>) offsets(%dma_start3A_22 : memref<128xi32, #tpu.memory_space<vmem>>) semaphore(%arg7 : memref<!tpu.dma_semaphore, #tpu.memory_space<semaphore_mem>>)
    %dma_start3A_26 = arith.constant 2 : i32
    %dma_start3A_27 = arith.constant 2 : i32
    %dma_start3A_28 = arith.constant 0 : i32
    %dma_start3A_29 = arith.constant 0 : i32
    %dma_start3A_30 = tpu.memref_slice %arg6[%dma_start3A_27, %dma_start3A_28, %dma_start3A_29] : memref<6x128x128xf32, #tpu.memory_space<vmem>> -> memref<1x128x128xf32, #tpu.memory_space<vmem>>
    %dma_start3A_31 = tpu.memref_squeeze %dma_start3A_30 : memref<1x128x128xf32, #tpu.memory_space<vmem>> -> memref<128x128xf32, #tpu.memory_space<vmem>>
    %dma_start3A_32 = arith.constant 0 : i32
    %dma_start3A_33 = tpu.memref_slice %arg5[%dma_start3A_26, %dma_start3A_32] : memref<50x128xi32, #tpu.memory_space<vmem>> -> memref<1x128xi32, #tpu.memory_space<vmem>>
    %dma_start3A_34 = tpu.memref_squeeze %dma_start3A_33 : memref<1x128xi32, #tpu.memory_space<vmem>> -> memref<128xi32, #tpu.memory_space<vmem>>
    %dma_start3A_35 = arith.constant 0 : i32
    %dma_start3A_36 = arith.constant 0 : i32
    %dma_start3A_37 = tpu.memref_slice %arg2[%dma_start3A_35, %dma_start3A_36] : memref<100000x128xf32, #tpu.memory_space<hbm>> -> memref<100000x128xf32, #tpu.memory_space<hbm>>
    tpu.enqueue_indirect_dma source(%dma_start3A_37 : memref<100000x128xf32, #tpu.memory_space<hbm>>) target(%dma_start3A_31 : memref<128x128xf32, #tpu.memory_space<vmem>>) offsets(%dma_start3A_34 : memref<128xi32, #tpu.memory_space<vmem>>) semaphore(%arg7 : memref<!tpu.dma_semaphore, #tpu.memory_space<semaphore_mem>>)
    %dma_start3A_38 = arith.constant 3 : i32
    %dma_start3A_39 = arith.constant 3 : i32
    %dma_start3A_40 = arith.constant 0 : i32
    %dma_start3A_41 = arith.constant 0 : i32
    %dma_start3A_42 = tpu.memref_slice %arg6[%dma_start3A_39, %dma_start3A_40, %dma_start3A_41] : memref<6x128x128xf32, #tpu.memory_space<vmem>> -> memref<1x128x128xf32, #tpu.memory_space<vmem>>
    %dma_start3A_43 = tpu.memref_squeeze %dma_start3A_42 : memref<1x128x128xf32, #tpu.memory_space<vmem>> -> memref<128x128xf32, #tpu.memory_space<vmem>>
    %dma_start3A_44 = arith.constant 0 : i32
    %dma_start3A_45 = tpu.memref_slice %arg5[%dma_start3A_38, %dma_start3A_44] : memref<50x128xi32, #tpu.memory_space<vmem>> -> memref<1x128xi32, #tpu.memory_space<vmem>>
    %dma_start3A_46 = tpu.memref_squeeze %dma_start3A_45 : memref<1x128xi32, #tpu.memory_space<vmem>> -> memref<128xi32, #tpu.memory_space<vmem>>
    %dma_start3A_47 = arith.constant 0 : i32
    %dma_start3A_48 = arith.constant 0 : i32
    %dma_start3A_49 = tpu.memref_slice %arg2[%dma_start3A_47, %dma_start3A_48] : memref<100000x128xf32, #tpu.memory_space<hbm>> -> memref<100000x128xf32, #tpu.memory_space<hbm>>
    tpu.enqueue_indirect_dma source(%dma_start3A_49 : memref<100000x128xf32, #tpu.memory_space<hbm>>) target(%dma_start3A_43 : memref<128x128xf32, #tpu.memory_space<vmem>>) offsets(%dma_start3A_46 : memref<128xi32, #tpu.memory_space<vmem>>) semaphore(%arg7 : memref<!tpu.dma_semaphore, #tpu.memory_space<semaphore_mem>>)
    %scan3A = arith.constant 0 : i32
    %scan3A_50 = arith.constant 2 : i32
    %scan3A_51 = arith.addi %scan3A, %scan3A_50 : i32
    %scan3A_52 = arith.constant 1 : i32
    scf.for %scan3A_93 = %scan3A to %scan3A_51 step %scan3A_52  : i32 {
      %dma_wait3A_94 = arith.constant 0 : i32
      %dma_wait3A_95 = arith.constant 0 : i32
      %dma_wait3A_96 = arith.constant 0 : i32
      %dma_wait3A_97 = tpu.memref_slice %arg6[%dma_wait3A_94, %dma_wait3A_95, %dma_wait3A_96] : memref<6x128x128xf32, #tpu.memory_space<vmem>> -> memref<1x128x128xf32, #tpu.memory_space<vmem>>
      %dma_wait3A_98 = tpu.memref_squeeze %dma_wait3A_97 : memref<1x128x128xf32, #tpu.memory_space<vmem>> -> memref<128x128xf32, #tpu.memory_space<vmem>>
      %dma_wait3A_99 = arith.constant 0 : i32
      %dma_wait3A_100 = arith.constant 0 : i32
      %dma_wait3A_101 = tpu.memref_slice %arg2[%dma_wait3A_99, %dma_wait3A_100] : memref<100000x128xf32, #tpu.memory_space<hbm>> -> memref<128x128xf32, #tpu.memory_space<hbm>>
      %dma_wait3A_102 = arith.constant 0 : i32
      %dma_wait3A_103 = arith.constant 0 : i32
      %dma_wait3A_104 = tpu.memref_slice %arg6[%dma_wait3A_94, %dma_wait3A_102, %dma_wait3A_103] : memref<6x128x128xf32, #tpu.memory_space<vmem>> -> memref<1x128x128xf32, #tpu.memory_space<vmem>>
      %dma_wait3A_105 = tpu.memref_squeeze %dma_wait3A_104 : memref<1x128x128xf32, #tpu.memory_space<vmem>> -> memref<128x128xf32, #tpu.memory_space<vmem>>
      %dma_wait3A_106 = arith.constant 0 : i32
      %dma_wait3A_107 = arith.constant 0 : i32
      %dma_wait3A_108 = tpu.memref_slice %arg2[%dma_wait3A_106, %dma_wait3A_107] : memref<100000x128xf32, #tpu.memory_space<hbm>> -> memref<128x128xf32, #tpu.memory_space<hbm>>
      tpu.wait_dma2 semaphore(%arg7 : memref<!tpu.dma_semaphore, #tpu.memory_space<semaphore_mem>>) src(%dma_wait3A_108 : memref<128x128xf32, #tpu.memory_space<hbm>>) dst(%dma_wait3A_105 : memref<128x128xf32, #tpu.memory_space<vmem>>)
      %jit3A = arith.constant 6 : i32
      %eq3A = arith.constant 0 : i32
      %eq3A_109 = arith.cmpi eq, %jit3A, %eq3A : i32
      %jit3A_110 = arith.constant 1 : i32
      %select_n3A = arith.select %eq3A_109, %jit3A_110, %jit3A : i32
      %rem3A = arith.remsi %scan3A_93, %select_n3A : i32
      %ne3A = arith.constant 0 : i32
      %ne3A_111 = arith.cmpi ne, %rem3A, %ne3A : i32
      %lt3A = arith.constant 0 : i32
      %lt3A_112 = arith.cmpi slt, %rem3A, %lt3A : i32
      %lt3A_113 = arith.constant 0 : i32
      %lt3A_114 = arith.cmpi slt, %select_n3A, %lt3A_113 : i32
      %ne3A_115 = arith.xori %lt3A_112, %lt3A_114 : i1
      %and3A = arith.andi %ne3A_115, %ne3A_111 : i1
      %add3A_116 = arith.addi %rem3A, %select_n3A : i32
      %select_n3A_117 = arith.select %and3A, %add3A_116, %rem3A : i32
      %mul3A_118 = arith.constant 128 : i32
      %mul3A_119 = arith.muli %scan3A_93, %mul3A_118 : i32
      %add3A_120 = arith.addi %mul3A_2, %mul3A_119 : i32
      %dma_start3A_121 = arith.constant 0 : i32
      %dma_start3A_122 = arith.constant 0 : i32
      %dma_start3A_123 = tpu.memref_slice %arg6[%select_n3A_117, %dma_start3A_121, %dma_start3A_122] : memref<6x128x128xf32, #tpu.memory_space<vmem>> -> memref<1x128x128xf32, #tpu.memory_space<vmem>>
      %dma_start3A_124 = tpu.memref_squeeze %dma_start3A_123 : memref<1x128x128xf32, #tpu.memory_space<vmem>> -> memref<128x128xf32, #tpu.memory_space<vmem>>
      %dma_start3A_125 = arith.constant 0 : i32
      %dma_start3A_126 = tpu.memref_slice %arg4[%add3A_120, %dma_start3A_125] : memref<204800x128xf32, #tpu.memory_space<hbm>> -> memref<128x128xf32, #tpu.memory_space<hbm>>
      %dma_start3A_127 = arith.constant 0 : i32
      %dma_start3A_128 = tpu.memref_slice %arg4[%add3A_120, %dma_start3A_127] : memref<204800x128xf32, #tpu.memory_space<hbm>> -> memref<128x128xf32, #tpu.memory_space<hbm>>
      %dma_start3A_129 = arith.constant 0 : i32
      %dma_start3A_130 = arith.constant 0 : i32
      %dma_start3A_131 = tpu.memref_slice %arg6[%select_n3A_117, %dma_start3A_129, %dma_start3A_130] : memref<6x128x128xf32, #tpu.memory_space<vmem>> -> memref<1x128x128xf32, #tpu.memory_space<vmem>>
      %dma_start3A_132 = tpu.memref_squeeze %dma_start3A_131 : memref<1x128x128xf32, #tpu.memory_space<vmem>> -> memref<128x128xf32, #tpu.memory_space<vmem>>
      tpu.enqueue_dma source(%dma_start3A_132 : memref<128x128xf32, #tpu.memory_space<vmem>>) target(%dma_start3A_128 : memref<128x128xf32, #tpu.memory_space<hbm>>) target_semaphore(%arg8 : memref<!tpu.dma_semaphore, #tpu.memory_space<semaphore_mem>>)
      %add3A_133 = arith.constant 4 : i32
      %add3A_134 = arith.addi %scan3A_93, %add3A_133 : i32
      %jit3A_135 = arith.constant 6 : i32
      %eq3A_136 = arith.constant 0 : i32
      %eq3A_137 = arith.cmpi eq, %jit3A_135, %eq3A_136 : i32
      %jit3A_138 = arith.constant 1 : i32
      %select_n3A_139 = arith.select %eq3A_137, %jit3A_138, %jit3A_135 : i32
      %rem3A_140 = arith.remsi %add3A_134, %select_n3A_139 : i32
      %ne3A_141 = arith.constant 0 : i32
      %ne3A_142 = arith.cmpi ne, %rem3A_140, %ne3A_141 : i32
      %lt3A_143 = arith.constant 0 : i32
      %lt3A_144 = arith.cmpi slt, %rem3A_140, %lt3A_143 : i32
      %lt3A_145 = arith.constant 0 : i32
      %lt3A_146 = arith.cmpi slt, %select_n3A_139, %lt3A_145 : i32
      %ne3A_147 = arith.xori %lt3A_144, %lt3A_146 : i1
      %and3A_148 = arith.andi %ne3A_147, %ne3A_142 : i1
      %add3A_149 = arith.addi %rem3A_140, %select_n3A_139 : i32
      %select_n3A_150 = arith.select %and3A_148, %add3A_149, %rem3A_140 : i32
      %dma_start3A_151 = arith.constant 0 : i32
      %dma_start3A_152 = arith.constant 0 : i32
      %dma_start3A_153 = tpu.memref_slice %arg6[%select_n3A_150, %dma_start3A_151, %dma_start3A_152] : memref<6x128x128xf32, #tpu.memory_space<vmem>> -> memref<1x128x128xf32, #tpu.memory_space<vmem>>
      %dma_start3A_154 = tpu.memref_squeeze %dma_start3A_153 : memref<1x128x128xf32, #tpu.memory_space<vmem>> -> memref<128x128xf32, #tpu.memory_space<vmem>>
      %dma_start3A_155 = arith.constant 0 : i32
      %dma_start3A_156 = tpu.memref_slice %arg5[%add3A_134, %dma_start3A_155] : memref<50x128xi32, #tpu.memory_space<vmem>> -> memref<1x128xi32, #tpu.memory_space<vmem>>
      %dma_start3A_157 = tpu.memref_squeeze %dma_start3A_156 : memref<1x128xi32, #tpu.memory_space<vmem>> -> memref<128xi32, #tpu.memory_space<vmem>>
      %dma_start3A_158 = arith.constant 0 : i32
      %dma_start3A_159 = arith.constant 0 : i32
      %dma_start3A_160 = tpu.memref_slice %arg2[%dma_start3A_158, %dma_start3A_159] : memref<100000x128xf32, #tpu.memory_space<hbm>> -> memref<100000x128xf32, #tpu.memory_space<hbm>>
      tpu.enqueue_indirect_dma source(%dma_start3A_160 : memref<100000x128xf32, #tpu.memory_space<hbm>>) target(%dma_start3A_154 : memref<128x128xf32, #tpu.memory_space<vmem>>) offsets(%dma_start3A_157 : memref<128xi32, #tpu.memory_space<vmem>>) semaphore(%arg7 : memref<!tpu.dma_semaphore, #tpu.memory_space<semaphore_mem>>)
    }
    %scan3A_53 = arith.constant 2 : i32
    %scan3A_54 = arith.constant 2 : i32
    %scan3A_55 = arith.constant 44 : i32
    %scan3A_56 = arith.addi %scan3A_54, %scan3A_55 : i32
    %scan3A_57 = arith.constant 1 : i32
    scf.for %scan3A_93 = %scan3A_54 to %scan3A_56 step %scan3A_57  : i32 {
      %dma_wait3A_94 = arith.constant 0 : i32
      %dma_wait3A_95 = arith.constant 0 : i32
      %dma_wait3A_96 = arith.constant 0 : i32
      %dma_wait3A_97 = tpu.memref_slice %arg6[%dma_wait3A_94, %dma_wait3A_95, %dma_wait3A_96] : memref<6x128x128xf32, #tpu.memory_space<vmem>> -> memref<1x128x128xf32, #tpu.memory_space<vmem>>
      %dma_wait3A_98 = tpu.memref_squeeze %dma_wait3A_97 : memref<1x128x128xf32, #tpu.memory_space<vmem>> -> memref<128x128xf32, #tpu.memory_space<vmem>>
      %dma_wait3A_99 = arith.constant 0 : i32
      %dma_wait3A_100 = arith.constant 0 : i32
      %dma_wait3A_101 = tpu.memref_slice %arg2[%dma_wait3A_99, %dma_wait3A_100] : memref<100000x128xf32, #tpu.memory_space<hbm>> -> memref<128x128xf32, #tpu.memory_space<hbm>>
      %dma_wait3A_102 = arith.constant 0 : i32
      %dma_wait3A_103 = arith.constant 0 : i32
      %dma_wait3A_104 = tpu.memref_slice %arg6[%dma_wait3A_94, %dma_wait3A_102, %dma_wait3A_103] : memref<6x128x128xf32, #tpu.memory_space<vmem>> -> memref<1x128x128xf32, #tpu.memory_space<vmem>>
      %dma_wait3A_105 = tpu.memref_squeeze %dma_wait3A_104 : memref<1x128x128xf32, #tpu.memory_space<vmem>> -> memref<128x128xf32, #tpu.memory_space<vmem>>
      %dma_wait3A_106 = arith.constant 0 : i32
      %dma_wait3A_107 = arith.constant 0 : i32
      %dma_wait3A_108 = tpu.memref_slice %arg2[%dma_wait3A_106, %dma_wait3A_107] : memref<100000x128xf32, #tpu.memory_space<hbm>> -> memref<128x128xf32, #tpu.memory_space<hbm>>
      tpu.wait_dma2 semaphore(%arg7 : memref<!tpu.dma_semaphore, #tpu.memory_space<semaphore_mem>>) src(%dma_wait3A_108 : memref<128x128xf32, #tpu.memory_space<hbm>>) dst(%dma_wait3A_105 : memref<128x128xf32, #tpu.memory_space<vmem>>)
      %jit3A = arith.constant 6 : i32
      %eq3A = arith.constant 0 : i32
      %eq3A_109 = arith.cmpi eq, %jit3A, %eq3A : i32
      %jit3A_110 = arith.constant 1 : i32
      %select_n3A = arith.select %eq3A_109, %jit3A_110, %jit3A : i32
      %rem3A = arith.remsi %scan3A_93, %select_n3A : i32
      %ne3A = arith.constant 0 : i32
      %ne3A_111 = arith.cmpi ne, %rem3A, %ne3A : i32
      %lt3A = arith.constant 0 : i32
      %lt3A_112 = arith.cmpi slt, %rem3A, %lt3A : i32
      %lt3A_113 = arith.constant 0 : i32
      %lt3A_114 = arith.cmpi slt, %select_n3A, %lt3A_113 : i32
      %ne3A_115 = arith.xori %lt3A_112, %lt3A_114 : i1
      %and3A = arith.andi %ne3A_115, %ne3A_111 : i1
      %add3A_116 = arith.addi %rem3A, %select_n3A : i32
      %select_n3A_117 = arith.select %and3A, %add3A_116, %rem3A : i32
      %mul3A_118 = arith.constant 128 : i32
      %mul3A_119 = arith.muli %scan3A_93, %mul3A_118 : i32
      %add3A_120 = arith.addi %mul3A_2, %mul3A_119 : i32
      %dma_start3A_121 = arith.constant 0 : i32
      %dma_start3A_122 = arith.constant 0 : i32
      %dma_start3A_123 = tpu.memref_slice %arg6[%select_n3A_117, %dma_start3A_121, %dma_start3A_122] : memref<6x128x128xf32, #tpu.memory_space<vmem>> -> memref<1x128x128xf32, #tpu.memory_space<vmem>>
      %dma_start3A_124 = tpu.memref_squeeze %dma_start3A_123 : memref<1x128x128xf32, #tpu.memory_space<vmem>> -> memref<128x128xf32, #tpu.memory_space<vmem>>
      %dma_start3A_125 = arith.constant 0 : i32
      %dma_start3A_126 = tpu.memref_slice %arg4[%add3A_120, %dma_start3A_125] : memref<204800x128xf32, #tpu.memory_space<hbm>> -> memref<128x128xf32, #tpu.memory_space<hbm>>
      %dma_start3A_127 = arith.constant 0 : i32
      %dma_start3A_128 = tpu.memref_slice %arg4[%add3A_120, %dma_start3A_127] : memref<204800x128xf32, #tpu.memory_space<hbm>> -> memref<128x128xf32, #tpu.memory_space<hbm>>
      %dma_start3A_129 = arith.constant 0 : i32
      %dma_start3A_130 = arith.constant 0 : i32
      %dma_start3A_131 = tpu.memref_slice %arg6[%select_n3A_117, %dma_start3A_129, %dma_start3A_130] : memref<6x128x128xf32, #tpu.memory_space<vmem>> -> memref<1x128x128xf32, #tpu.memory_space<vmem>>
      %dma_start3A_132 = tpu.memref_squeeze %dma_start3A_131 : memref<1x128x128xf32, #tpu.memory_space<vmem>> -> memref<128x128xf32, #tpu.memory_space<vmem>>
      tpu.enqueue_dma source(%dma_start3A_132 : memref<128x128xf32, #tpu.memory_space<vmem>>) target(%dma_start3A_128 : memref<128x128xf32, #tpu.memory_space<hbm>>) target_semaphore(%arg8 : memref<!tpu.dma_semaphore, #tpu.memory_space<semaphore_mem>>)
      %add3A_133 = arith.constant 4 : i32
      %add3A_134 = arith.addi %scan3A_93, %add3A_133 : i32
      %sub3A = arith.constant 6 : i32
      %sub3A_135 = arith.subi %add3A_134, %sub3A : i32
      %jit3A_136 = arith.constant 6 : i32
      %eq3A_137 = arith.constant 0 : i32
      %eq3A_138 = arith.cmpi eq, %jit3A_136, %eq3A_137 : i32
      %jit3A_139 = arith.constant 1 : i32
      %select_n3A_140 = arith.select %eq3A_138, %jit3A_139, %jit3A_136 : i32
      %rem3A_141 = arith.remsi %sub3A_135, %select_n3A_140 : i32
      %ne3A_142 = arith.constant 0 : i32
      %ne3A_143 = arith.cmpi ne, %rem3A_141, %ne3A_142 : i32
      %lt3A_144 = arith.constant 0 : i32
      %lt3A_145 = arith.cmpi slt, %rem3A_141, %lt3A_144 : i32
      %lt3A_146 = arith.constant 0 : i32
      %lt3A_147 = arith.cmpi slt, %select_n3A_140, %lt3A_146 : i32
      %ne3A_148 = arith.xori %lt3A_145, %lt3A_147 : i1
      %and3A_149 = arith.andi %ne3A_148, %ne3A_143 : i1
      %add3A_150 = arith.addi %rem3A_141, %select_n3A_140 : i32
      %select_n3A_151 = arith.select %and3A_149, %add3A_150, %rem3A_141 : i32
      %mul3A_152 = arith.constant 128 : i32
      %mul3A_153 = arith.muli %sub3A_135, %mul3A_152 : i32
      %add3A_154 = arith.addi %mul3A_2, %mul3A_153 : i32
      %dma_wait3A_155 = arith.constant 0 : i32
      %dma_wait3A_156 = arith.constant 0 : i32
      %dma_wait3A_157 = tpu.memref_slice %arg6[%select_n3A_151, %dma_wait3A_155, %dma_wait3A_156] : memref<6x128x128xf32, #tpu.memory_space<vmem>> -> memref<1x128x128xf32, #tpu.memory_space<vmem>>
      %dma_wait3A_158 = tpu.memref_squeeze %dma_wait3A_157 : memref<1x128x128xf32, #tpu.memory_space<vmem>> -> memref<128x128xf32, #tpu.memory_space<vmem>>
      %dma_wait3A_159 = arith.constant 0 : i32
      %dma_wait3A_160 = tpu.memref_slice %arg4[%add3A_154, %dma_wait3A_159] : memref<204800x128xf32, #tpu.memory_space<hbm>> -> memref<128x128xf32, #tpu.memory_space<hbm>>
      %dma_wait3A_161 = arith.constant 0 : i32
      %dma_wait3A_162 = tpu.memref_slice %arg4[%add3A_154, %dma_wait3A_161] : memref<204800x128xf32, #tpu.memory_space<hbm>> -> memref<128x128xf32, #tpu.memory_space<hbm>>
      %dma_wait3A_163 = arith.constant 0 : i32
      %dma_wait3A_164 = arith.constant 0 : i32
      %dma_wait3A_165 = tpu.memref_slice %arg6[%select_n3A_151, %dma_wait3A_163, %dma_wait3A_164] : memref<6x128x128xf32, #tpu.memory_space<vmem>> -> memref<1x128x128xf32, #tpu.memory_space<vmem>>
      %dma_wait3A_166 = tpu.memref_squeeze %dma_wait3A_165 : memref<1x128x128xf32, #tpu.memory_space<vmem>> -> memref<128x128xf32, #tpu.memory_space<vmem>>
      tpu.wait_dma2 semaphore(%arg8 : memref<!tpu.dma_semaphore, #tpu.memory_space<semaphore_mem>>) src(%dma_wait3A_166 : memref<128x128xf32, #tpu.memory_space<vmem>>) dst(%dma_wait3A_162 : memref<128x128xf32, #tpu.memory_space<hbm>>)
      %add3A_167 = arith.constant 4 : i32
      %add3A_168 = arith.addi %scan3A_93, %add3A_167 : i32
      %jit3A_169 = arith.constant 6 : i32
      %eq3A_170 = arith.constant 0 : i32
      %eq3A_171 = arith.cmpi eq, %jit3A_169, %eq3A_170 : i32
      %jit3A_172 = arith.constant 1 : i32
      %select_n3A_173 = arith.select %eq3A_171, %jit3A_172, %jit3A_169 : i32
      %rem3A_174 = arith.remsi %add3A_168, %select_n3A_173 : i32
      %ne3A_175 = arith.constant 0 : i32
      %ne3A_176 = arith.cmpi ne, %rem3A_174, %ne3A_175 : i32
      %lt3A_177 = arith.constant 0 : i32
      %lt3A_178 = arith.cmpi slt, %rem3A_174, %lt3A_177 : i32
      %lt3A_179 = arith.constant 0 : i32
      %lt3A_180 = arith.cmpi slt, %select_n3A_173, %lt3A_179 : i32
      %ne3A_181 = arith.xori %lt3A_178, %lt3A_180 : i1
      %and3A_182 = arith.andi %ne3A_181, %ne3A_176 : i1
      %add3A_183 = arith.addi %rem3A_174, %select_n3A_173 : i32
      %select_n3A_184 = arith.select %and3A_182, %add3A_183, %rem3A_174 : i32
      %dma_start3A_185 = arith.constant 0 : i32
      %dma_start3A_186 = arith.constant 0 : i32
      %dma_start3A_187 = tpu.memref_slice %arg6[%select_n3A_184, %dma_start3A_185, %dma_start3A_186] : memref<6x128x128xf32, #tpu.memory_space<vmem>> -> memref<1x128x128xf32, #tpu.memory_space<vmem>>
      %dma_start3A_188 = tpu.memref_squeeze %dma_start3A_187 : memref<1x128x128xf32, #tpu.memory_space<vmem>> -> memref<128x128xf32, #tpu.memory_space<vmem>>
      %dma_start3A_189 = arith.constant 0 : i32
      %dma_start3A_190 = tpu.memref_slice %arg5[%add3A_168, %dma_start3A_189] : memref<50x128xi32, #tpu.memory_space<vmem>> -> memref<1x128xi32, #tpu.memory_space<vmem>>
      %dma_start3A_191 = tpu.memref_squeeze %dma_start3A_190 : memref<1x128xi32, #tpu.memory_space<vmem>> -> memref<128xi32, #tpu.memory_space<vmem>>
      %dma_start3A_192 = arith.constant 0 : i32
      %dma_start3A_193 = arith.constant 0 : i32
      %dma_start3A_194 = tpu.memref_slice %arg2[%dma_start3A_192, %dma_start3A_193] : memref<100000x128xf32, #tpu.memory_space<hbm>> -> memref<100000x128xf32, #tpu.memory_space<hbm>>
      tpu.enqueue_indirect_dma source(%dma_start3A_194 : memref<100000x128xf32, #tpu.memory_space<hbm>>) target(%dma_start3A_188 : memref<128x128xf32, #tpu.memory_space<vmem>>) offsets(%dma_start3A_191 : memref<128xi32, #tpu.memory_space<vmem>>) semaphore(%arg7 : memref<!tpu.dma_semaphore, #tpu.memory_space<semaphore_mem>>)
    }
    %scan3A_58 = arith.constant 44 : i32
    %scan3A_59 = arith.constant 46 : i32
    %scan3A_60 = arith.constant 4 : i32
    %scan3A_61 = arith.addi %scan3A_59, %scan3A_60 : i32
    %scan3A_62 = arith.constant 1 : i32
    scf.for %scan3A_93 = %scan3A_59 to %scan3A_61 step %scan3A_62  : i32 {
      %dma_wait3A_94 = arith.constant 0 : i32
      %dma_wait3A_95 = arith.constant 0 : i32
      %dma_wait3A_96 = arith.constant 0 : i32
      %dma_wait3A_97 = tpu.memref_slice %arg6[%dma_wait3A_94, %dma_wait3A_95, %dma_wait3A_96] : memref<6x128x128xf32, #tpu.memory_space<vmem>> -> memref<1x128x128xf32, #tpu.memory_space<vmem>>
      %dma_wait3A_98 = tpu.memref_squeeze %dma_wait3A_97 : memref<1x128x128xf32, #tpu.memory_space<vmem>> -> memref<128x128xf32, #tpu.memory_space<vmem>>
      %dma_wait3A_99 = arith.constant 0 : i32
      %dma_wait3A_100 = arith.constant 0 : i32
      %dma_wait3A_101 = tpu.memref_slice %arg2[%dma_wait3A_99, %dma_wait3A_100] : memref<100000x128xf32, #tpu.memory_space<hbm>> -> memref<128x128xf32, #tpu.memory_space<hbm>>
      %dma_wait3A_102 = arith.constant 0 : i32
      %dma_wait3A_103 = arith.constant 0 : i32
      %dma_wait3A_104 = tpu.memref_slice %arg6[%dma_wait3A_94, %dma_wait3A_102, %dma_wait3A_103] : memref<6x128x128xf32, #tpu.memory_space<vmem>> -> memref<1x128x128xf32, #tpu.memory_space<vmem>>
      %dma_wait3A_105 = tpu.memref_squeeze %dma_wait3A_104 : memref<1x128x128xf32, #tpu.memory_space<vmem>> -> memref<128x128xf32, #tpu.memory_space<vmem>>
      %dma_wait3A_106 = arith.constant 0 : i32
      %dma_wait3A_107 = arith.constant 0 : i32
      %dma_wait3A_108 = tpu.memref_slice %arg2[%dma_wait3A_106, %dma_wait3A_107] : memref<100000x128xf32, #tpu.memory_space<hbm>> -> memref<128x128xf32, #tpu.memory_space<hbm>>
      tpu.wait_dma2 semaphore(%arg7 : memref<!tpu.dma_semaphore, #tpu.memory_space<semaphore_mem>>) src(%dma_wait3A_108 : memref<128x128xf32, #tpu.memory_space<hbm>>) dst(%dma_wait3A_105 : memref<128x128xf32, #tpu.memory_space<vmem>>)
      %jit3A = arith.constant 6 : i32
      %eq3A = arith.constant 0 : i32
      %eq3A_109 = arith.cmpi eq, %jit3A, %eq3A : i32
      %jit3A_110 = arith.constant 1 : i32
      %select_n3A = arith.select %eq3A_109, %jit3A_110, %jit3A : i32
      %rem3A = arith.remsi %scan3A_93, %select_n3A : i32
      %ne3A = arith.constant 0 : i32
      %ne3A_111 = arith.cmpi ne, %rem3A, %ne3A : i32
      %lt3A = arith.constant 0 : i32
      %lt3A_112 = arith.cmpi slt, %rem3A, %lt3A : i32
      %lt3A_113 = arith.constant 0 : i32
      %lt3A_114 = arith.cmpi slt, %select_n3A, %lt3A_113 : i32
      %ne3A_115 = arith.xori %lt3A_112, %lt3A_114 : i1
      %and3A = arith.andi %ne3A_115, %ne3A_111 : i1
      %add3A_116 = arith.addi %rem3A, %select_n3A : i32
      %select_n3A_117 = arith.select %and3A, %add3A_116, %rem3A : i32
      %mul3A_118 = arith.constant 128 : i32
      %mul3A_119 = arith.muli %scan3A_93, %mul3A_118 : i32
      %add3A_120 = arith.addi %mul3A_2, %mul3A_119 : i32
      %dma_start3A_121 = arith.constant 0 : i32
      %dma_start3A_122 = arith.constant 0 : i32
      %dma_start3A_123 = tpu.memref_slice %arg6[%select_n3A_117, %dma_start3A_121, %dma_start3A_122] : memref<6x128x128xf32, #tpu.memory_space<vmem>> -> memref<1x128x128xf32, #tpu.memory_space<vmem>>
      %dma_start3A_124 = tpu.memref_squeeze %dma_start3A_123 : memref<1x128x128xf32, #tpu.memory_space<vmem>> -> memref<128x128xf32, #tpu.memory_space<vmem>>
      %dma_start3A_125 = arith.constant 0 : i32
      %dma_start3A_126 = tpu.memref_slice %arg4[%add3A_120, %dma_start3A_125] : memref<204800x128xf32, #tpu.memory_space<hbm>> -> memref<128x128xf32, #tpu.memory_space<hbm>>
      %dma_start3A_127 = arith.constant 0 : i32
      %dma_start3A_128 = tpu.memref_slice %arg4[%add3A_120, %dma_start3A_127] : memref<204800x128xf32, #tpu.memory_space<hbm>> -> memref<128x128xf32, #tpu.memory_space<hbm>>
      %dma_start3A_129 = arith.constant 0 : i32
      %dma_start3A_130 = arith.constant 0 : i32
      %dma_start3A_131 = tpu.memref_slice %arg6[%select_n3A_117, %dma_start3A_129, %dma_start3A_130] : memref<6x128x128xf32, #tpu.memory_space<vmem>> -> memref<1x128x128xf32, #tpu.memory_space<vmem>>
      %dma_start3A_132 = tpu.memref_squeeze %dma_start3A_131 : memref<1x128x128xf32, #tpu.memory_space<vmem>> -> memref<128x128xf32, #tpu.memory_space<vmem>>
      tpu.enqueue_dma source(%dma_start3A_132 : memref<128x128xf32, #tpu.memory_space<vmem>>) target(%dma_start3A_128 : memref<128x128xf32, #tpu.memory_space<hbm>>) target_semaphore(%arg8 : memref<!tpu.dma_semaphore, #tpu.memory_space<semaphore_mem>>)
      %add3A_133 = arith.constant 4 : i32
      %add3A_134 = arith.addi %scan3A_93, %add3A_133 : i32
      %sub3A = arith.constant 6 : i32
      %sub3A_135 = arith.subi %add3A_134, %sub3A : i32
      %jit3A_136 = arith.constant 6 : i32
      %eq3A_137 = arith.constant 0 : i32
      %eq3A_138 = arith.cmpi eq, %jit3A_136, %eq3A_137 : i32
      %jit3A_139 = arith.constant 1 : i32
      %select_n3A_140 = arith.select %eq3A_138, %jit3A_139, %jit3A_136 : i32
      %rem3A_141 = arith.remsi %sub3A_135, %select_n3A_140 : i32
      %ne3A_142 = arith.constant 0 : i32
      %ne3A_143 = arith.cmpi ne, %rem3A_141, %ne3A_142 : i32
      %lt3A_144 = arith.constant 0 : i32
      %lt3A_145 = arith.cmpi slt, %rem3A_141, %lt3A_144 : i32
      %lt3A_146 = arith.constant 0 : i32
      %lt3A_147 = arith.cmpi slt, %select_n3A_140, %lt3A_146 : i32
      %ne3A_148 = arith.xori %lt3A_145, %lt3A_147 : i1
      %and3A_149 = arith.andi %ne3A_148, %ne3A_143 : i1
      %add3A_150 = arith.addi %rem3A_141, %select_n3A_140 : i32
      %select_n3A_151 = arith.select %and3A_149, %add3A_150, %rem3A_141 : i32
      %mul3A_152 = arith.constant 128 : i32
      %mul3A_153 = arith.muli %sub3A_135, %mul3A_152 : i32
      %add3A_154 = arith.addi %mul3A_2, %mul3A_153 : i32
      %dma_wait3A_155 = arith.constant 0 : i32
      %dma_wait3A_156 = arith.constant 0 : i32
      %dma_wait3A_157 = tpu.memref_slice %arg6[%select_n3A_151, %dma_wait3A_155, %dma_wait3A_156] : memref<6x128x128xf32, #tpu.memory_space<vmem>> -> memref<1x128x128xf32, #tpu.memory_space<vmem>>
      %dma_wait3A_158 = tpu.memref_squeeze %dma_wait3A_157 : memref<1x128x128xf32, #tpu.memory_space<vmem>> -> memref<128x128xf32, #tpu.memory_space<vmem>>
      %dma_wait3A_159 = arith.constant 0 : i32
      %dma_wait3A_160 = tpu.memref_slice %arg4[%add3A_154, %dma_wait3A_159] : memref<204800x128xf32, #tpu.memory_space<hbm>> -> memref<128x128xf32, #tpu.memory_space<hbm>>
      %dma_wait3A_161 = arith.constant 0 : i32
      %dma_wait3A_162 = tpu.memref_slice %arg4[%add3A_154, %dma_wait3A_161] : memref<204800x128xf32, #tpu.memory_space<hbm>> -> memref<128x128xf32, #tpu.memory_space<hbm>>
      %dma_wait3A_163 = arith.constant 0 : i32
      %dma_wait3A_164 = arith.constant 0 : i32
      %dma_wait3A_165 = tpu.memref_slice %arg6[%select_n3A_151, %dma_wait3A_163, %dma_wait3A_164] : memref<6x128x128xf32, #tpu.memory_space<vmem>> -> memref<1x128x128xf32, #tpu.memory_space<vmem>>
      %dma_wait3A_166 = tpu.memref_squeeze %dma_wait3A_165 : memref<1x128x128xf32, #tpu.memory_space<vmem>> -> memref<128x128xf32, #tpu.memory_space<vmem>>
      tpu.wait_dma2 semaphore(%arg8 : memref<!tpu.dma_semaphore, #tpu.memory_space<semaphore_mem>>) src(%dma_wait3A_166 : memref<128x128xf32, #tpu.memory_space<vmem>>) dst(%dma_wait3A_162 : memref<128x128xf32, #tpu.memory_space<hbm>>)
    }
    %scan3A_63 = arith.constant 4 : i32
    %add3A_64 = arith.constant 6144 : i32
    %add3A_65 = arith.addi %mul3A_2, %add3A_64 : i32
    %dma_wait3A = arith.constant 0 : i32
    %dma_wait3A_66 = arith.constant 0 : i32
    %dma_wait3A_67 = arith.constant 0 : i32
    %dma_wait3A_68 = tpu.memref_slice %arg6[%dma_wait3A, %dma_wait3A_66, %dma_wait3A_67] : memref<6x128x128xf32, #tpu.memory_space<vmem>> -> memref<1x128x128xf32, #tpu.memory_space<vmem>>
    %dma_wait3A_69 = tpu.memref_squeeze %dma_wait3A_68 : memref<1x128x128xf32, #tpu.memory_space<vmem>> -> memref<128x128xf32, #tpu.memory_space<vmem>>
    %dma_wait3A_70 = arith.constant 0 : i32
    %dma_wait3A_71 = tpu.memref_slice %arg4[%add3A_65, %dma_wait3A_70] : memref<204800x128xf32, #tpu.memory_space<hbm>> -> memref<128x128xf32, #tpu.memory_space<hbm>>
    %dma_wait3A_72 = arith.constant 0 : i32
    %dma_wait3A_73 = tpu.memref_slice %arg4[%add3A_65, %dma_wait3A_72] : memref<204800x128xf32, #tpu.memory_space<hbm>> -> memref<128x128xf32, #tpu.memory_space<hbm>>
    %dma_wait3A_74 = arith.constant 0 : i32
    %dma_wait3A_75 = arith.constant 0 : i32
    %dma_wait3A_76 = tpu.memref_slice %arg6[%dma_wait3A, %dma_wait3A_74, %dma_wait3A_75] : memref<6x128x128xf32, #tpu.memory_space<vmem>> -> memref<1x128x128xf32, #tpu.memory_space<vmem>>
    %dma_wait3A_77 = tpu.memref_squeeze %dma_wait3A_76 : memref<1x128x128xf32, #tpu.memory_space<vmem>> -> memref<128x128xf32, #tpu.memory_space<vmem>>
    tpu.wait_dma2 semaphore(%arg8 : memref<!tpu.dma_semaphore, #tpu.memory_space<semaphore_mem>>) src(%dma_wait3A_77 : memref<128x128xf32, #tpu.memory_space<vmem>>) dst(%dma_wait3A_73 : memref<128x128xf32, #tpu.memory_space<hbm>>)
    %add3A_78 = arith.constant 6272 : i32
    %add3A_79 = arith.addi %mul3A_2, %add3A_78 : i32
    %dma_wait3A_80 = arith.constant 1 : i32
    %dma_wait3A_81 = arith.constant 0 : i32
    %dma_wait3A_82 = arith.constant 0 : i32
    %dma_wait3A_83 = tpu.memref_slice %arg6[%dma_wait3A_80, %dma_wait3A_81, %dma_wait3A_82] : memref<6x128x128xf32, #tpu.memory_space<vmem>> -> memref<1x128x128xf32, #tpu.memory_space<vmem>>
    %dma_wait3A_84 = tpu.memref_squeeze %dma_wait3A_83 : memref<1x128x128xf32, #tpu.memory_space<vmem>> -> memref<128x128xf32, #tpu.memory_space<vmem>>
    %dma_wait3A_85 = arith.constant 0 : i32
    %dma_wait3A_86 = tpu.memref_slice %arg4[%add3A_79, %dma_wait3A_85] : memref<204800x128xf32, #tpu.memory_space<hbm>> -> memref<128x128xf32, #tpu.memory_space<hbm>>
    %dma_wait3A_87 = arith.constant 0 : i32
    %dma_wait3A_88 = tpu.memref_slice %arg4[%add3A_79, %dma_wait3A_87] : memref<204800x128xf32, #tpu.memory_space<hbm>> -> memref<128x128xf32, #tpu.memory_space<hbm>>
    %dma_wait3A_89 = arith.constant 0 : i32
    %dma_wait3A_90 = arith.constant 0 : i32
    %dma_wait3A_91 = tpu.memref_slice %arg6[%dma_wait3A_80, %dma_wait3A_89, %dma_wait3A_90] : memref<6x128x128xf32, #tpu.memory_space<vmem>> -> memref<1x128x128xf32, #tpu.memory_space<vmem>>
    %dma_wait3A_92 = tpu.memref_squeeze %dma_wait3A_91 : memref<1x128x128xf32, #tpu.memory_space<vmem>> -> memref<128x128xf32, #tpu.memory_space<vmem>>
    tpu.wait_dma2 semaphore(%arg8 : memref<!tpu.dma_semaphore, #tpu.memory_space<semaphore_mem>>) src(%dma_wait3A_92 : memref<128x128xf32, #tpu.memory_space<vmem>>) dst(%dma_wait3A_88 : memref<128x128xf32, #tpu.memory_space<hbm>>)
    return
  }
}

</mosaic_0001>

<sc_bundles>
// kernel: _gather.3.cloned.1.call-start
scs
__scs_entry_jumppad:
0x0: {  	(pc) =	sbr.rel $0x88, $3  }
0x1: {  	(tag) =	ssettag $0x0;
	lr =	simm.s32 $0x1  }
0x2: {  	[smem:$0x3F9F] =	sst lr;
	_ =	strace $0xD0000000  }
0x3: {  	_ = 	snop  }
0x4: {  	_ = 	snop  }
0x5: {  	_ = 	snop  }
0x6: {  	_ = 	snop  }
0x7: {  	_ = 	snop  }
__scs_overlays_trampoline_lowered:
0x8: {  	[smem:$0x3FAE] =	sst s0  }
0x9: {  	[smem:$0x3FAF] =	sst s1  }
0xa: {  	[smem:$0x3FB0] =	sst s2  }
0xb: {  	[smem:$0x3FB1] =	sst s3  }
0xc: {  	[smem:$0x3FB2] =	sst s4  }
0xd: {  	[smem:$0x3FB3] =	sst s5  }
0xe: {  	[smem:$0x3FB4] =	sst s6  }
0xf: {  	[smem:$0x3FB5] =	sst s7  }
0x10: {  	[smem:$0x3FB6] =	sst s8  }
0x11: {  	[smem:$0x3FB7] =	sst s9;
	s0 =	simm.s32 @!p0 $0x0  }
0x12: {  	s1 =	sld [smem:$0x3F9D];
	s0 =	simm.s32 @p0 $0x1  }
0x13: {  	[smem:$0x3FB8] =	sst s0;
	s0 =	simm.s32 @!p1 $0x0  }
0x14: {  	s2 =	sld [smem:$0x3F9C];
	s0 =	simm.s32 @p1 $0x1  }
0x15: {  	[smem:$0x3FB9] =	sst s0;
	s0 =	simm.s32 @!p2 $0x0  }
0x16: {  	s3 =	sld [smem:$0x3FDB];
	s0 =	simm.s32 @p2 $0x1  }
0x17: {  	s4 =	simm.s32 $0x1BF5;
	[smem:$0x3FBB] =	sst s0  }
0x18: {  	s0 =	sld [smem:$0x3F9E];
	_ =	swait.ge [sflag:s4], $0x0  }
0x19: {  	s7 =	sld [smem:$0x3F9F]  }
0x1a: {  	s8 =	sadd.s32 $0xFFFFE003, lr  }
0x1b: {  	s9 =	sadd.s32 $0xFFFFFEF7, lr;
	s5 =	simm.s32 $0xFFFFFFFF;
	p2 =	slt.u32 s8, $0xFFFFF086  }
0x1c: {  	p1 =	slt.u32 s9, $0xF7A;
	s5 =	simm.s32 @!p2 $0x0  }
0x1d: {  	s5 =	simm.s32 @p1 $0x1;
	p0 =	seq.s32 s7, s2  }
0x1e: {  	s7 =	smul.u32 @!p0 $0xF7A, s2;
	p2 =	seq.s32 @!p0 s5, $0x0  }
0x1f: {  	s9 =	smul.u32 $0xF7A, s1;
	s8 =	simm.s32 @!p0 $0x1BF5;
	p2 =	por !p2, p0  }
0x20: {  	[sflag:s8] =	ssyncset.s32 @!p0 $0xFFFFF086;
	s6 =	sadd.s32 @!p0 s3, s7;
	s7 =	simm.s32 @!p0 $0x108  }
0x21: {  	s3 =	sadd.s32 s3, s9;
	s6 =	sadd.s32 @!p0 $0x88, s6;
	s7 =	simm.s32 @p2 $0x1082  }
0x22: {  	[simem:s7], [sflag:s8] =	dma.local @!p0 [hbm:s6], $0xF7A  }
0x23: {  	s9 =	sor.u32 $0xD0000000, s2;
	s6 =	simm.s32 $0x108;
	_ =	swait.ge @!p0 [sflag:s8], $0x0  }
0x24: {  	s3 =	sadd.s32 $0x88, s3;
	s6 =	simm.s32 @!p1 $0x1082;
	[sflag:s4] =	ssyncset.s32 $0xFFFFF086  }
0x25: {  	[simem:s6], [sflag:s4] =	dma.local [hbm:s3], $0xF7A  }
0x26: {  	[smem:$0x3F9F] =	sst s1;
	(tag) =	ssettag s2;
	_ =	strace s9  }
0x27: {  	s1 =	sld [smem:$0x3FAF]  }
0x28: {  	s2 =	sld [smem:$0x3FB0]  }
0x29: {  	s4 =	sld [smem:$0x3FB2]  }
0x2a: {  	p0 =	seq.s32 s5, $0x0;
	s5 =	sld [smem:$0x3FB3]  }
0x2b: {  	s6 =	sld [smem:$0x3FB4]  }
0x2c: {  	s7 =	sld [smem:$0x3FB5]  }
0x2d: {  	s3 =	simm.s32 $0x108;
	s8 =	sld [smem:$0x3FB6]  }
0x2e: {  	s3 =	simm.s32 @!p0 $0x1082;
	s9 =	sld [smem:$0x3FB7]  }
0x2f: {  	lr =	sadd.s32 s0, s3;
	s0 =	sld [smem:$0x3FAE]  }
0x30: {  	s3 =	sld [smem:$0x3FB1]  }
0x31: {  	[smem:$0x3FBA] =	sst s10  }
0x32: {  	s10 =	sld [smem:$0x3FB8];
	_ =	sdelay $0x3  }
0x33: {  	p0 =	seq.s32 s10, $0x1;
	s10 =	sld [smem:$0x3FBA];
	_ =	sdelay $0x3  }
0x34: {  	[smem:$0x3FBA] =	sst s10  }
0x35: {  	s10 =	sld [smem:$0x3FB9];
	_ =	sdelay $0x3  }
0x36: {  	p1 =	seq.s32 s10, $0x1;
	s10 =	sld [smem:$0x3FBA];
	_ =	sdelay $0x3  }
0x37: {  	[smem:$0x3FBA] =	sst s10  }
0x38: {  	s10 =	sld [smem:$0x3FBB]  }
0x39: {  	_ = 	snop;
	(pc) =	sbr.ind lr, $3  }
0x3a: {  	_ = 	snop  }
0x3b: {  	_ = 	snop  }
0x3c: {  	p2 =	seq.s32 s10, $0x1;
	s10 =	sld [smem:$0x3FBA]  }
0x3d: {  	_ =	shalt  }
0x3e: {  	_ =	shalt  }
0x3f: {  	_ =	shalt  }
0x40: {  	_ =	shalt  }
0x41: {  	_ =	shalt  }
0x42: {  	_ =	shalt  }
0x43: {  	_ =	shalt  }
0x44: {  	_ =	shalt  }
0x45: {  	_ =	shalt  }
0x46: {  	_ =	shalt  }
0x47: {  	_ =	shalt  }
0x48: {  	_ =	shalt  }
0x49: {  	_ =	shalt  }
0x4a: {  	_ =	shalt  }
0x4b: {  	_ =	shalt  }
0x4c: {  	_ =	shalt  }
0x4d: {  	_ =	shalt  }
0x4e: {  	_ =	shalt  }
0x4f: {  	_ =	shalt  }
0x50: {  	_ =	shalt  }
0x51: {  	_ =	shalt  }
0x52: {  	_ =	shalt  }
0x53: {  	_ =	shalt  }
0x54: {  	_ =	shalt  }
0x55: {  	_ =	shalt  }
0x56: {  	_ =	shalt  }
0x57: {  	_ =	shalt  }
0x58: {  	_ =	shalt  }
0x59: {  	_ =	shalt  }
0x5a: {  	_ =	shalt  }
0x5b: {  	_ =	shalt  }
0x5c: {  	_ =	shalt  }
0x5d: {  	_ =	shalt  }
0x5e: {  	_ =	shalt  }
0x5f: {  	_ =	shalt  }
0x60: {  	_ =	shalt  }
0x61: {  	_ =	shalt  }
0x62: {  	_ =	shalt  }
0x63: {  	_ =	shalt  }
0x64: {  	_ =	shalt  }
0x65: {  	_ =	shalt  }
0x66: {  	_ =	shalt  }
0x67: {  	_ =	shalt  }
0x68: {  	_ =	shalt  }
0x69: {  	_ =	shalt  }
0x6a: {  	_ =	shalt  }
0x6b: {  	_ =	shalt  }
0x6c: {  	_ =	shalt  }
0x6d: {  	_ =	shalt  }
0x6e: {  	_ =	shalt  }
0x6f: {  	_ =	shalt  }
0x70: {  	_ =	shalt  }
0x71: {  	_ =	shalt  }
0x72: {  	_ =	shalt  }
0x73: {  	_ =	shalt  }
0x74: {  	_ =	shalt  }
0x75: {  	_ =	shalt  }
0x76: {  	_ =	shalt  }
0x77: {  	_ =	shalt  }
0x78: {  	_ =	shalt  }
0x79: {  	_ =	shalt  }
0x7a: {  	_ =	shalt  }
0x7b: {  	_ =	shalt  }
0x7c: {  	_ =	shalt  }
0x7d: {  	_ =	shalt  }
0x7e: {  	_ =	shalt  }
0x7f: {  	_ =	shalt  }
0x80: {  	_ =	shalt  }
0x81: {  	_ =	shalt  }
0x82: {  	_ =	shalt  }
0x83: {  	_ =	shalt  }
0x84: {  	_ =	shalt  }
0x85: {  	_ =	shalt  }
0x86: {  	_ =	shalt  }
0x87: {  	_ =	shalt  }
.Lfunc_end0:
.L_simem_size_0:
called_computation_lowered:
.L_overlay_start_0:
0x88: {  	s2 =	sld [smem:$0x3FD9]  }
0x89: {  	s3 =	sld [smem:$0x3FFE];
	_ =	sdelay $0x1  }
0x8a: {  	s1 =	srdreg.scid  }
0x8b: {  	s0 =	sand.u32 $0x1, s1  }
0x8c: {  	s17 =	sshll.u32 s0, $0xA;
	s2 =	sadd.s32 s3, s2  }
0x8d: {  	s2 =	sadd.s32 s2, s17  }
0x8e: {  	[smem:$0x3FC6] =	sst s2  }
0x8f: {  	_ = 	snop  }
0x90: {  	s2 =	sld [smem:$0x3FC8]  }
0x91: {  	s18 =	sld [smem:$0x3FD0];
	(tm) =	ssettm $0x1  }
0x92: {  	s4 =	sld [smem:$0x3FFB];
	_ =	sdelay $0x3  }
0x93: {  	_ =	strace s4  }
0x94: {  	s4 =	sld [smem:$0x3FFC];
	_ =	sdelay $0x3  }
0x95: {  	_ =	strace s4  }
0x96: {  	s4 =	sld [smem:$0x3FFD];
	_ =	sdelay $0x3  }
0x97: {  	_ =	strace s4  }
0x98: {  	_ =	strace $0x8FFFFFFF  }
0x99: {  	s19 =	sld [smem:$0x3FDB];
	_ =	sdelay $0x1  }
0x9a: {  	s5 =	simm.s32 $_scs_section_size  }
0x9b: {  	s6 =	simm.s32 $_size__tile_overlayer_lowered;
	s7 =	simm.s32 $_tile_overlayer_lowered  }
0x9c: {  	s22 =	simm.s32 $0x1BFF;
	s21 =	sshll.u32 s7, $0x1;
	s4 =	sadd.s32 s5, s19  }
0x9d: {  	s8 =	simm.s32 $0x0;
	s20 =	sshll.u32 s6, $0x1;
	s6 =	sadd.s32 s21, s4  }
0x9e: {  	[timem:s8], [sflag:s22] =	dma.local [hbm:s6], s20  }
0x9f: {  	_ =	swait.ge [sflag:s22], s20  }
0xa0: {  	s5 =	ssub.s32 $0x0, s20;
	[sflag:s22] =	ssyncset.done $0x0  }
0xa1: {  	[sflag:s22] =	ssyncadd.s32 s5;
	_ =	sdelay $0x1  }
0xa2: {  	s23 =	simm.s32 $0x1B8B  }
0xa3: {  	_ =	swait.ge [sflag:s23], $0x1  }
0xa4: {  	[sflag:s23] =	ssyncset.done $0x0  }
0xa5: {  	s25 =	simm.s32 $0x1B8E;
	s24 =	sld [smem:$0x3FFE];
	[sflag:s23] =	ssyncadd.s32 $0xFFFFFFFF  }
0xa6: {  	s26 =	simm.s32 $execute0_lowered;
	[smem:$0x3FD2] =	sst s25  }
0xa7: {  	s6 =	sshll.u32 s26, $0x1;
	_ =	strace $0x80000046;
	[dreg:$0x1] =	wrdreg $0xFFFFFFFF  }
0xa8: {  	s28 =	simm.s32 $_size_execute0_lowered;
	s4 =	sadd.s32 s4, s6;
	[dreg:$0x0] =	wrdreg $0x0  }
0xa9: {  	s6 =	sshll.u32 s28, $0x1;
	[dreg:$0x2] =	wrdreg s4  }
0xaa: {  	[dreg:$0x3] =	wrdreg s6  }
0xab: {  	[dreg:$0x4] =	wrdreg $0xC0  }
0xac: {  	_ =	task [dreg:s8], $0x5FFFF  }
0xad: {  	[dreg:$0x1] =	wrdreg $0xFFFFFFFF  }
0xae: {  	[dreg:$0x0] =	wrdreg $0x60  }
0xaf: {  	[dreg:$0x2] =	wrdreg s2  }
0xb0: {  	[dreg:$0x3] =	wrdreg s24  }
0xb1: {  	[dreg:$0x4] =	wrdreg s18  }
0xb2: {  	[dreg:$0x5] =	wrdreg $0x9  }
0xb3: {  	_ =	task.clear_ibuf [dreg:s8], $0x6FFFF;
	_ =	strace $0x90000046  }
0xb4: {  	s29 =	simm.s32 $0x9;
	_ =	strace $0x80000048  }
0xb5: {  	_ =	swait.ge [sflag:s29], $0x1  }
0xb6: {  	[sflag:s29] =	ssyncadd.s32 $0xFFFFFFFF  }
0xb7: {  	_ =	strace $0x90000048  }
0xb8: {  	_ =	sfence  }
0xb9: {  	s30 =	sld [smem:$0x0];
	_ =	sdelay $0x2  }
0xba: {  	s31 =	sshll.u32 s1, $0xD;
	s1 =	sshrl.u32 s1, $0x2  }
0xbb: {  	s3 =	sand.u32 $0x4000, s31;
	s1 =	sadd.s32 s1, s30  }
0xbc: {  	s0 =	sor.u32 s3, s0;
	s1 =	sshll.u32 s1, $0x11  }
0xbd: {  	s0 =	sor.u32 s1, s0  }
0xbe: {  	s0 =	sadd.s32 $0x8F2B, s0  }
0xbf: {  	[sflag:s0] =	ssyncadd.remote.s32 $0x1  }
0xc0: {  	_ =	sfence.sel $0xFFFF  }
0xc1: {  	[dreg:$0x0] =	wrdreg $0xFFFFFFFF;
	(pc) =	sbr.abs _section_cstart, $3  }
0xc2: {  	[dreg:$0x1] =	wrdreg $0xFFFFFFFF  }
0xc3: {  	_ =	task.clear_ibuf [dreg:s8], $0x2FFFF;
	_ =	strace $0x9FFFFFFF  }
0xc4: {  	(tm) =	ssettm $0x7FFFFFFF  }
0xc5: {  	_ =	shalt  }
tec
execute0_lowered:
.L_overlay_start_1:
0x0: {  	(tag) =	ssettag $0x1  }
0x1: {  	s1 =	rddreg [dreg:$0x0]  }
0x2: {  	s0 =	srdreg.scid;
	s4 =	rddreg [dreg:$0x1]  }
0x3: {  	s7 =	stileid.u32;
	s12 =	rddreg [dreg:$0x2];
	s3 =	simm.s32 $0x0  }
0x4: {  	s13 =	simm.s32 $0x3;
	s14 =	simm.s32 $0x80;
	s15 =	simm.s32 $0x1C00  }
0x5: {  	s16 =	simm.s32 $0x5C00;
	s21 =	simm.s32 $0x1;
	s23 =	simm.s32 $0x11C00  }
0x6: {  	s24 =	simm.s32 $0x280;
	s25 =	simm.s32 $0x15C00;
	s26 =	simm.s32 $0x2  }
0x7: {  	s0 =	sand.u32 $0x1, s0;
	s2 =	sshll.u32 s7, $0x1;
	s7 =	smul.u32 $0x190000, s7  }
0x8: {  	s2 =	sor.u32 s0, s2;
	s6 =	ssub.s32 $0x2, s0;
	s0 =	smul.u32 $0xC8000, s0  }
0x9: {  	s28 =	simm.s32 $0x0;
	[smem:$0x7FF] =	sst s3;
	s5 =	smul.u32 $0x380, s2  }
0xa: {  	_ =	strace $0x80000047;
	s2 =	smul.u32 $0xC8000, s2;
	s8 =	sshrl.u32 s6, $0x1  }
0xb: {  	s6 =	ssub.s32 s6, s8;
	s0 =	sadd.s32 s0, s7;
	s4 =	sadd.s32 s5, s4  }
0xc: {  	s2 =	sshrl.u32 s2, $0x3;
	s6 =	smax.u32 s6, $0x1;
	s0 =	sadd.s32 $0x8000, s0  }
0xd: {  	s4 =	sadd.s32 $0x400, s4;
	s5 =	sadd.s32 s12, s2;
	s0 =	sshrl.u32 s0, $0x3  }
0xe: {  	s7 =	sadd.s32 $0x800, s5;
	s8 =	sadd.s32 $0x17000, s5;
	s9 =	sadd.s32 $0x17800, s5  }
0xf: {  	s10 =	sadd.s32 $0x18000, s5;
	s11 =	sadd.s32 $0x18800, s5;
	s2 =	sadd.s32 s0, s12  }
.LBB2_1:
0x10: {  	[tilespmem:s3], [sflag:$0x3] =	stream.linear.gather [hbm4b:s4+s3], $0x1900, $0x38;
	[tilespmem:$0x19C00] =	vst v63  }
0x11: {  	_ =	swait.ge [sflag:s13], $0x1900  }
0x12: {  	[sflag:s13] =	ssyncset.done $0x0  }
0x13: {  	[sflag:s13] =	ssyncadd.s32 $0xFFFFE700  }
0x14: {  	[tilespmem:s15], [sflag:$0x1] =	stream.indirect.gather [hbm4b:s1+s14], $0x80, s3, s14, $0xb8;
	[tilespmem:$0x19C00] =	vst v63  }
0x15: {  	_ = 	snop  }
0x16: {  	[tilespmem:s16], [sflag:$0x1] =	stream.indirect.gather [hbm4b:s1+s14], $0x80, s14, s14, $0xb8;
	[tilespmem:$0x19C00] =	vst v63  }
0x17: {  	s0 =	simm.s32 $0x100;
	s12 =	simm.s32 $0x9C00;
	s17 =	simm.s32 $0x6  }
0x18: {  	[tilespmem:s12], [sflag:$0x1] =	stream.indirect.gather [hbm4b:s1+s14], $0x80, s0, s14, $0xb8;
	[tilespmem:$0x19C00] =	vst v63  }
0x19: {  	s20 =	simm.s32 $0x180;
	s22 =	simm.s32 $0xDC00;
	s0 =	smul.u32 $0xAB, s17  }
0x1a: {  	[tilespmem:s22], [sflag:$0x1] =	stream.indirect.gather [hbm4b:s1+s14], $0x80, s20, s14, $0xb8;
	[tilespmem:$0x19C00] =	vst v63  }
0x1b: {  	_ =	swait.ge [sflag:s21], $0x4000  }
0x1c: {  	s18 =	sshrl.u32 s0, $0xA;
	s0 =	sadd.s32 $0xFFFFFD54, s0;
	[sflag:s21] =	ssyncset.done $0x0  }
0x1d: {  	s31 =	simm.s32 $0x300;
	s0 =	sshrl.u32 s0, $0xA;
	[sflag:s21] =	ssyncadd.s32 $0xFFFFC000  }
0x1e: {  	[hbm4b:s5+s3] =	stream.linear.scatter [tilespmem:s15], [sflag:$0x2], $0x4000, $0x38;
	[tilespmem:$0x19C00] =	vst v63  }
0x1f: {  	s29 =	simm.s32 $0x7;
	s12 =	simm.s32 $0x200;
	s0 =	sand.u32 $0x3F, s0  }
0x20: {  	[tilespmem:s23], [sflag:$0x1] =	stream.indirect.gather [hbm4b:s1+s14], $0x80, s12, s14, $0xb8;
	[tilespmem:$0x19C00] =	vst v63  }
0x21: {  	s30 =	simm.s32 $0x380;
	s0 =	smul.u32 $0x6, s0;
	_ =	swait.ge [sflag:s21], $0x4000  }
0x22: {  	s17 =	simm.s32 $0x8;
	s12 =	sand.u32 $0x3F, s18;
	[sflag:s21] =	ssyncset.done $0x0  }
0x23: {  	s0 =	ssub.s32 $0x6, s0;
	s12 =	smul.u32 $0x6, s12;
	[sflag:s21] =	ssyncadd.s32 $0xFFFFC000  }
0x24: {  	[hbm4b:s7+s3] =	stream.linear.scatter [tilespmem:s16], [sflag:$0x2], $0x4000, $0x38;
	[tilespmem:$0x19C00] =	vst v63  }
0x25: {  	s20 =	smul.u32 $0xAB, s29;
	s0 =	sadd.s32 $0xFFFFFFFC, s0;
	s12 =	ssub.s32 $0x6, s12  }
0x26: {  	[tilespmem:s25], [sflag:$0x1] =	stream.indirect.gather [hbm4b:s1+s14], $0x80, s24, s14, $0xb8;
	[tilespmem:$0x19C00] =	vst v63  }
0x27: {  	s18 =	sand.u32 $0xFF, s0;
	s12 =	sand.u32 $0xFF, s12;
	_ =	swait.ge [sflag:s21], $0x4000  }
0x28: {  	s19 =	sshll.u32 s18, $0xE;
	s12 =	sshll.u32 s12, $0xE;
	[sflag:s21] =	ssyncset.done $0x0  }
0x29: {  	s0 =	sor.u32 $0x1C00, s12;
	s12 =	sor.u32 $0x1C00, s19;
	[sflag:s21] =	ssyncadd.s32 $0xFFFFC000  }
0x2a: {  	[hbm4b:s2+s3] =	stream.linear.scatter [tilespmem:s12], [sflag:$0x2], $0x4000, $0x38;
	[tilespmem:$0x19C00] =	vst v63  }
0x2b: {  	s22 =	sshrl.u32 s20, $0xA;
	s18 =	sadd.s32 $0xFFFFFD54, s20;
	_ =	swait.ge [sflag:s26], $0x4000  }
0x2c: {  	s19 =	sshrl.u32 s18, $0xA;
	s12 =	sand.u32 $0x3F, s22;
	[sflag:s26] =	ssyncset.done $0x0  }
0x2d: {  	s18 =	smul.u32 $0x6, s12;
	s12 =	smov.u32 s2;
	[sflag:s26] =	ssyncadd.s32 $0xFFFFC000  }
.LBB2_2:
0x2e: {  	s19 =	sand.u32 $0x3F, s19  }
0x2f: {  	s12 =	sadd.s32 $0x800, s12;
	s20 =	smov.u32 s17;
	s22 =	sadd.s32 $0x1, s17  }
0x30: {  	p0 =	sne.s32 s17, $0x31;
	s17 =	smul.u32 $0x6, s19;
	s18 =	ssub.s32 s29, s18  }
0x31: {  	[tilespmem:s0], [sflag:$0x1] =	stream.indirect.gather [hbm4b:s1+s14], $0x80, s31, s14, $0xb8;
	[tilespmem:$0x19C00] =	vst v63  }
0x32: {  	s31 =	smov.u32 s30  }
0x33: {  	s0 =	ssub.s32 s29, s17;
	s17 =	sand.u32 $0xFF, s18;
	s29 =	smov.u32 s20  }
0x34: {  	s30 =	sadd.s32 $0x80, s30;
	s0 =	sadd.s32 $0xFFFFFFFC, s0;
	s17 =	sshll.u32 s17, $0xE  }
0x35: {  	_ =	swait.ge [sflag:s21], $0x4000;
	s18 =	sand.u32 $0xFF, s0;
	s0 =	sor.u32 $0x1C00, s17  }
0x36: {  	s17 =	smul.u32 $0xAB, s29;
	[sflag:s21] =	ssyncset.done $0x0;
	s18 =	sshll.u32 s18, $0xE  }
.Ltmp0:
0x37: {  	[sflag:s21] =	ssyncadd.s32 $0xFFFFC000;
	s18 =	sor.u32 $0x1C00, s18;
	(pc) =	sbr.rel @p0 .LBB2_2-.Ltmp0, $4  }
0x38: {  	[hbm4b:s12+s3] =	stream.linear.scatter [tilespmem:s18], [sflag:$0x2], $0x4000, $0x38;
	[tilespmem:$0x19C00] =	vst v63  }
0x39: {  	s18 =	sshrl.u32 s17, $0xA;
	s17 =	sadd.s32 $0xFFFFFD54, s17;
	_ =	swait.ge [sflag:s26], $0x4000  }
0x3a: {  	s18 =	sand.u32 $0x3F, s18;
	s19 =	sshrl.u32 s17, $0xA;
	[sflag:s26] =	ssyncset.done $0x0  }
0x3b: {  	s17 =	smov.u32 s22;
	s18 =	smul.u32 $0x6, s18;
	[sflag:s26] =	ssyncadd.s32 $0xFFFFC000  }
0x3c: {  	s17 =	sand.u32 $0x3F, s19  }
0x3d: {  	s17 =	smul.u32 $0x6, s17  }
0x3e: {  	[tilespmem:s0], [sflag:$0x1] =	stream.indirect.gather [hbm4b:s1+s14], $0x80, s31, s14, $0xb8;
	[tilespmem:$0x19C00] =	vst v63  }
0x3f: {  	s22 =	ssub.s32 s29, s17  }
0x40: {  	s0 =	sadd.s32 $0xFFFFFFFC, s22  }
0x41: {  	_ =	swait.ge [sflag:s21], $0x4000;
	s0 =	sand.u32 $0xFF, s0  }
0x42: {  	s12 =	sadd.s32 $0x800, s12;
	[sflag:s21] =	ssyncset.done $0x0;
	s0 =	sshll.u32 s0, $0xE  }
0x43: {  	s29 =	ssub.s32 s29, s18;
	[sflag:s21] =	ssyncadd.s32 $0xFFFFC000;
	s0 =	sor.u32 $0x1C00, s0  }
0x44: {  	[hbm4b:s12+s3] =	stream.linear.scatter [tilespmem:s0], [sflag:$0x2], $0x4000, $0x38;
	[tilespmem:$0x19C00] =	vst v63  }
0x45: {  	s31 =	sand.u32 $0xFF, s29;
	_ =	swait.ge [sflag:s26], $0x4000  }
0x46: {  	s0 =	sshll.u32 s31, $0xE;
	[sflag:s26] =	ssyncset.done $0x0  }
0x47: {  	s0 =	sor.u32 $0x1C00, s0;
	[sflag:s26] =	ssyncadd.s32 $0xFFFFC000  }
0x48: {  	[tilespmem:s0], [sflag:$0x1] =	stream.indirect.gather [hbm4b:s1+s14], $0x80, s30, s14, $0xb8;
	[tilespmem:$0x19C00] =	vst v63  }
0x49: {  	_ =	swait.ge [sflag:s21], $0x4000  }
0x4a: {  	[sflag:s21] =	ssyncset.done $0x0  }
0x4b: {  	[sflag:s21] =	ssyncadd.s32 $0xFFFFC000  }
0x4c: {  	[hbm4b:s8+s3] =	stream.linear.scatter [tilespmem:s23], [sflag:$0x2], $0x4000, $0x38;
	[tilespmem:$0x19C00] =	vst v63  }
0x4d: {  	_ =	swait.ge [sflag:s26], $0x4000  }
0x4e: {  	[sflag:s26] =	ssyncset.done $0x0  }
0x4f: {  	[sflag:s26] =	ssyncadd.s32 $0xFFFFC000  }
0x50: {  	_ =	swait.ge [sflag:s21], $0x4000  }
0x51: {  	[sflag:s21] =	ssyncset.done $0x0  }
0x52: {  	[sflag:s21] =	ssyncadd.s32 $0xFFFFC000  }
0x53: {  	[hbm4b:s9+s3] =	stream.linear.scatter [tilespmem:s25], [sflag:$0x2], $0x4000, $0x38;
	[tilespmem:$0x19C00] =	vst v63  }
0x54: {  	_ =	swait.ge [sflag:s26], $0x4000  }
0x55: {  	[sflag:s26] =	ssyncset.done $0x0  }
0x56: {  	[sflag:s26] =	ssyncadd.s32 $0xFFFFC000  }
0x57: {  	_ =	swait.ge [sflag:s21], $0x4000  }
0x58: {  	[sflag:s21] =	ssyncset.done $0x0  }
0x59: {  	[sflag:s21] =	ssyncadd.s32 $0xFFFFC000  }
0x5a: {  	[hbm4b:s10+s3] =	stream.linear.scatter [tilespmem:s15], [sflag:$0x2], $0x4000, $0x38;
	[tilespmem:$0x19C00] =	vst v63  }
0x5b: {  	_ =	swait.ge [sflag:s26], $0x4000  }
0x5c: {  	[sflag:s26] =	ssyncset.done $0x0  }
0x5d: {  	[sflag:s26] =	ssyncadd.s32 $0xFFFFC000  }
0x5e: {  	_ =	swait.ge [sflag:s21], $0x4000  }
0x5f: {  	[sflag:s21] =	ssyncset.done $0x0  }
0x60: {  	[sflag:s21] =	ssyncadd.s32 $0xFFFFC000  }
0x61: {  	[hbm4b:s11+s3] =	stream.linear.scatter [tilespmem:s16], [sflag:$0x2], $0x4000, $0x38;
	[tilespmem:$0x19C00] =	vst v63  }
0x62: {  	_ =	swait.ge [sflag:s26], $0x4000  }
0x63: {  	[sflag:s26] =	ssyncset.done $0x0  }
0x64: {  	s28 =	sadd.s32 $0x1, s28;
	[sflag:s26] =	ssyncadd.s32 $0xFFFFC000  }
0x65: {  	p0 =	sne.s32 s28, s6;
	_ =	swait.ge [sflag:s26], $0x4000  }
.Ltmp1:
0x66: {  	[sflag:s26] =	ssyncset.done $0x0;
	(pc) =	sbr.rel @p0 .LBB2_1-.Ltmp1, $4  }
0x67: {  	[sflag:s26] =	ssyncadd.s32 $0xFFFFC000  }
0x68: {  	_ =	swait.ge [sflag:s26], $0x4000  }
0x69: {  	[sflag:s26] =	ssyncset.done $0x0  }
0x6a: {  	[sflag:s26] =	ssyncadd.s32 $0xFFFFC000  }
0x6b: {  	_ =	sfence.sel $0x180000  }
0x6c: {  	[bflag:$0x0] =	sbarrier.arrive $0xFFFF  }
0x6d: {  	_ =	strace $0x90000047  }
0x6e: {  	s0 =	stileid.u32;
	[bflag:$0x2] =	sbarrier.arrive $0xFFFF  }
0x6f: {  	p0 =	sne.s32 s0, $0x0;
	s0 =	rddreg [dreg:$0x3]  }
0x70: {  	s0 =	sadd.s32 @!p0 $0x100000, s0  }
0x71: {  	[sflag:s0] =	ssyncadd.tile.s32 @!p0 $0x1;
	_ =	shalt  }
.Lfunc_end2:
_tile_overlayer_lowered:
.L_overlay_start_2:
0x72: {  	(tag) =	ssettag $0x2  }
0x73: {  	s0 =	rddreg [dreg:$0x0];
	s2 =	stileid.u32  }
0x74: {  	s1 =	rddreg [dreg:$0x1];
	p0 =	sne.s32 s2, $0x0  }
0x75: {  	s3 =	rddreg [dreg:$0x2];
	[bflag:$0x3] =	sbarrier.arrive $0xFFFF;
	s2 =	simm.s32 @!p0 $0x1C03  }
0x76: {  	[timem:s3], [sflag:s2] =	dma.local @!p0 [hbm:s0], s1  }
0x77: {  	s0 =	simm.s32 @!p0 $0x3  }
0x78: {  	_ =	swait.ge @!p0 [sflag:s0], s1  }
0x79: {  	s1 =	ssub.s32 @!p0 $0x0, s1;
	[sflag:s0] =	ssyncset.done @!p0 $0x0  }
0x7a: {  	[sflag:s0] =	ssyncadd.s32 @!p0 s1  }
0x7b: {  	[bflag:$0x3] =	sbarrier.arrive $0xFFFF  }
0x7c: {  	_ =	shalt  }

</sc_bundles>
